<compile_context>
chip_gen: v7x
topology: tpu7x:2x2x1
jax: 0.10.2.dev20260603
libtpu: 0.0.44.dev20260713+nightly
codegen_flags: <defaults>
</compile_context>

<pallas_src>
import functools

import jax
import jax.numpy as jnp
from jax import lax
from jax.experimental import pallas as pl
from jax.experimental.pallas import tpu as pltpu
from jax.experimental.pallas import tpu_sc as plsc

C2 = 256
HW = 4096
QB = 512
NQ = HW // QB

NC = 2
NS = 16
NW = NC * NS
CPW = C2 // NW
LANES = 16
NCHUNK = HW // LANES


def _argmax_body(latq_ref, latf_ref, flagr_ref, idx_ref, lnorm_ref):
    i = pl.program_id(0)

    @pl.when(i == 0)
    def _():
        latf = latf_ref[...]
        n2 = jnp.sum(latf * latf, axis=0, keepdims=True)
        norm = jnp.sqrt(n2) + 1e-8
        lnorm_ref[...] = latf / norm

    cos = lax.dot_general(
        latq_ref[...], lnorm_ref[...],
        (((0,), (0,)), ((), ())),
        preferred_element_type=jnp.float32,
    )
    cosm = jnp.where(flagr_ref[...] != 0, -jnp.inf, cos)
    m = jnp.max(cosm, axis=1, keepdims=True)
    qio = lax.broadcasted_iota(jnp.int32, (QB, HW), 1)
    idx = jnp.min(jnp.where(cosm == m, qio, jnp.int32(HW)), axis=1, keepdims=True)
    idx_ref[...] = idx.reshape(1, QB, 1)


def _best_source_idx(latter, flag_row):
    idx3 = pl.pallas_call(
        _argmax_body,
        grid=(NQ,),
        in_specs=[
            pl.BlockSpec((C2, QB), lambda i: (0, i)),
            pl.BlockSpec((C2, HW), lambda i: (0, 0)),
            pl.BlockSpec((1, HW), lambda i: (0, 0)),
        ],
        out_specs=pl.BlockSpec((1, QB, 1), lambda i: (i, 0, 0)),
        out_shape=jax.ShapeDtypeStruct((NQ, QB, 1), jnp.int32),
        scratch_shapes=[pltpu.VMEM((C2, HW), jnp.float32)],
    )(latter, latter, flag_row)
    return idx3.reshape(HW)


def _sc_shift_body(x2_hbm, idx_hbm, mask_hbm, out_hbm, tbl_v, idx_v, msk_v, out_v):
    wid = lax.axis_index("s") * NC + lax.axis_index("c")
    ch0 = wid * CPW
    pltpu.sync_copy(idx_hbm, idx_v)


@functools.cache
def _make_sc_shift():
    return pl.kernel(
        _sc_shift_body,
        out_type=jax.ShapeDtypeStruct((C2 * HW,), jnp.float32),
        mesh=plsc.VectorSubcoreMesh(core_axis_name="c", subcore_axis_name="s"),
        compiler_params=pltpu.CompilerParams(
            needs_layout_passes=False,
            skip_device_barrier=True,
            disable_bounds_checks=True,
            disable_semaphore_checks=True,
        ),
        scratch_types=[
            pltpu.VMEM((CPW * HW,), jnp.float32),
            pltpu.VMEM((HW,), jnp.int32),
            pltpu.VMEM((HW,), jnp.int32),
            pltpu.VMEM((CPW * HW,), jnp.float32),
        ],
    )


def kernel(input, mask):
    b, c, h, w = input.shape
    x2 = input.reshape(c, HW)
    former = x2[:C2]
    latter = x2[C2:]
    mask_row = mask.reshape(1, HW)
    mask1d = mask.reshape(HW)

    idx = _best_source_idx(latter, mask_row)
    shift = _make_sc_shift()(x2.reshape(c * HW), idx, mask1d).reshape(C2, HW)

    out = jnp.concatenate([former, latter, shift], axis=0)
    return out.reshape(b, 3 * C2, h, w)

# --- scband reference (transcript-rebuilt; emitter-appended) ---
"""Pipeline reference for scband-inner-shift-triple-91156385890481 (READ-ONLY COPY).

The authoritative reference and input builder live on the scoring server;
editing this copy changes nothing except your own understanding.
"""

import jax, jax.numpy as jnp
import numpy as np


def setup_inputs(seed: int = 0) -> dict:
    key = jax.random.key(seed)
    k1, k2 = jax.random.split(key)
    x = jax.random.normal(k1, (1, 512, 64, 64), dtype=jnp.float32)
    mask = jax.random.randint(k2, (64, 64), 0, 2).astype(jnp.int32)
    return {"input": x, "mask": mask}


def reference(input, mask):
    # InnerShiftTriple with shift_sz=1, stride=1, mask_thred=1, triple_weight=1.
    # Split channels into former/latter halves; for every masked spatial location,
    # find the most cosine-similar NON-masked location in the latter feature map
    # (nearest-neighbor candidate patches are L2-normalized, query is not, matching
    # the conv-with-normalized-kernels formulation), then copy the FORMER feature
    # from that location into a zero-initialized shift map. Output is
    # cat([former, latter, shift], dim=1).
    b, c, h, w = input.shape
    c2 = c // 2
    hw = h * w
    former = input[:, :c2, :, :].reshape(b, c2, hw)
    latter = input[:, c2:, :, :].reshape(b, c2, hw)
    # flag: 1 = inside hole (masked), shared across batch (shift_sz=1 -> per-pixel)
    flag = (mask.reshape(hw) > 0)

    def per_sample(f, l):
        # f, l: [c2, hw]
        norm_q = jnp.sqrt(jnp.sum(l * l, axis=0)) + 1e-8  # [hw] candidate norms
        l_normed = l / norm_q[None, :]
        cosine = l.T @ l_normed  # [hw (query p), hw (candidate q)]
        cosine = jnp.where(flag[None, :], -jnp.inf, cosine)  # exclude masked candidates
        idx = jnp.argmax(cosine, axis=1)  # [hw] best nonmask source per location
        shifted = jnp.take(f, idx, axis=1)  # gather former features [c2, hw]
        shifted = jnp.where(flag[None, :], shifted, 0.0)  # only fill masked points
        return shifted

    shift = jax.vmap(per_sample)(former, latter)  # [b, c2, hw]
    out = jnp.concatenate(
        [
            former.reshape(b, c2, h, w),
            latter.reshape(b, c2, h, w),
            shift.reshape(b, c2, h, w),
        ],
        axis=1,
    )
    return out

if __name__ == "__main__":
    import jax
    _d = setup_inputs()
    print(jax.jit(kernel)(*tuple(_d.values())))

</pallas_src>

<mosaic_0001>
#map = affine_map<(d0, d1) -> (0)>
module attributes {stable_mosaic.version = 14 : i64} {
  func.func @_sc_shift_body(%arg0: i32, %arg1: i32, %arg2: memref<2097152xf32, #tpu.memory_space<hbm>>, %arg3: memref<4096xi32, #tpu.memory_space<hbm>>, %arg4: memref<4096xi32, #tpu.memory_space<hbm>>, %arg5: memref<1048576xf32, #tpu.memory_space<hbm>>, %arg6: memref<32768xf32, #tpu.memory_space<vmem>>, %arg7: memref<4096xi32, #tpu.memory_space<vmem>>, %arg8: memref<4096xi32, #tpu.memory_space<vmem>>, %arg9: memref<32768xf32, #tpu.memory_space<vmem>>) attributes {dimension_semantics = [#tpu.dimension_semantics<core_parallel>, #tpu.dimension_semantics<subcore_parallel>], iteration_bounds = array<i64: 2, 16>, scalar_prefetch = 0 : i64, scratch_operands = 4 : i64, tpu.core_type = #tpu.core_type<sc_vector_subcore>, window_params = [{transform_indices = #map}, {transform_indices = #map}, {transform_indices = #map}, {transform_indices = #map}]} {
    %mul3A = arith.constant 2 : i32
    %mul3A_0 = arith.muli %arg1, %mul3A : i32
    %add3A = arith.addi %mul3A_0, %arg0 : i32
    %mul3A_1 = arith.constant 8 : i32
    %mul3A_2 = arith.muli %add3A, %mul3A_1 : i32
    "tpu.region"() ({
      %run_scoped3A = tpu.sem_alloc : memref<!tpu.dma_semaphore, #tpu.memory_space<semaphore_mem>>
      tpu.enqueue_dma source(%arg3 : memref<4096xi32, #tpu.memory_space<hbm>>) target(%arg7 : memref<4096xi32, #tpu.memory_space<vmem>>) target_semaphore(%run_scoped3A : memref<!tpu.dma_semaphore, #tpu.memory_space<semaphore_mem>>)
      tpu.wait_dma2 semaphore(%run_scoped3A : memref<!tpu.dma_semaphore, #tpu.memory_space<semaphore_mem>>) src(%arg3 : memref<4096xi32, #tpu.memory_space<hbm>>) dst(%arg7 : memref<4096xi32, #tpu.memory_space<vmem>>)
      tpu.yield
    }) : () -> ()
    return
  }
}

module attributes {stable_mosaic.version = 14 : i64} {
  func.func @_argmax_body(%arg0: i32, %arg1: memref<256x512xf32, #tpu.memory_space<vmem>>, %arg2: memref<256x4096xf32, #tpu.memory_space<vmem>>, %arg3: memref<1x4096xi32, #tpu.memory_space<vmem>>, %arg4: memref<1x512x1xi32, #tpu.memory_space<vmem>>, %arg5: memref<256x4096xf32, #tpu.memory_space<vmem>>) attributes {dimension_semantics = [#tpu.dimension_semantics<arbitrary>], iteration_bounds = array<i64: 8>, scalar_prefetch = 0 : i64, scratch_operands = 1 : i64, tpu.core_type = #tpu.core_type<tc>, window_params = [{transform_indices = @transform_0, window_bounds = array<i64: 256, 512>}, {pipeline_mode = #tpu.pipeline_mode<synchronous>, transform_indices = @transform_1, window_bounds = array<i64: 256, 4096>}, {pipeline_mode = #tpu.pipeline_mode<synchronous>, transform_indices = @transform_2, window_bounds = array<i64: 1, 4096>}, {transform_indices = @transform_3, window_bounds = array<i64: 1, 512, 1>}]} {
    %eq3A = arith.constant 0 : i32
    %eq3A_0 = arith.cmpi eq, %arg0, %eq3A : i32
    %convert_element_type3A = arith.extui %eq3A_0 : i1 to i32
    %cond3A = arith.constant 0 : i32
    %cond3A_1 = arith.cmpi ne, %convert_element_type3A, %cond3A : i32
    scf.if %cond3A_1 {
      %get3A_27 = arith.constant 0 : index
      %get3A_28 = arith.constant 0 : index
      %get3A_29 = vector.load %arg2[%get3A_27, %get3A_28] : memref<256x4096xf32, #tpu.memory_space<vmem>>, vector<256x4096xf32>
      %mul3A = arith.mulf %get3A_29, %get3A_29 : vector<256x4096xf32>
      %reduce_sum3A = arith.constant dense<0.000000e+00> : vector<4096xf32>
      %reduce_sum3A_30 = vector.multi_reduction <add>, %mul3A, %reduce_sum3A [0] : vector<256x4096xf32> to vector<4096xf32>
      %broadcast_in_dim3A_31 = vector.shape_cast %reduce_sum3A_30 : vector<4096xf32> to vector<1x4096xf32>
      %sqrt3A = math.sqrt %broadcast_in_dim3A_31 : vector<1x4096xf32>
      %add3A = arith.constant 9.99999993E-9 : f32
      %add3A_32 = vector.broadcast %add3A : f32 to vector<1x4096xf32>
      %add3A_33 = arith.addf %sqrt3A, %add3A_32 : vector<1x4096xf32>
      %div3A = vector.broadcast %add3A_33 : vector<1x4096xf32> to vector<256x4096xf32>
      %div3A_34 = arith.divf %get3A_29, %div3A : vector<256x4096xf32>
      %swap3A_35 = arith.constant 0 : index
      %swap3A_36 = arith.constant 0 : index
      %swap3A_37 = vector.load %arg5[%swap3A_35, %swap3A_36] : memref<256x4096xf32, #tpu.memory_space<vmem>>, vector<256x4096xf32>
      tpu.vector_store %arg5[%swap3A_35, %swap3A_36], %div3A_34 {strides = array<i32>} : memref<256x4096xf32, #tpu.memory_space<vmem>>, vector<256x4096xf32>,
    } else {
    }
    %get3A = arith.constant 0 : index
    %get3A_2 = arith.constant 0 : index
    %get3A_3 = vector.load %arg1[%get3A, %get3A_2] : memref<256x512xf32, #tpu.memory_space<vmem>>, vector<256x512xf32>
    %get3A_4 = arith.constant 0 : index
    %get3A_5 = arith.constant 0 : index
    %get3A_6 = vector.load %arg5[%get3A_4, %get3A_5] : memref<256x4096xf32, #tpu.memory_space<vmem>>, vector<256x4096xf32>
    %dot_general3A = arith.constant dense<0.000000e+00> : vector<512x4096xf32>
    %dot_general3A_7 = tpu.matmul %get3A_3, %get3A_6, %dot_general3A {dimension_numbers = #tpu.dot_dimension_numbers<[0], [0], [1], [1], [0, 1, 1, 1], [], []>, transpose_lhs_hint = false} : vector<256x512xf32>, vector<256x4096xf32>, vector<512x4096xf32> -> vector<512x4096xf32>
    %get3A_8 = arith.constant 0 : index
    %get3A_9 = arith.constant 0 : index
    %get3A_10 = vector.load %arg3[%get3A_8, %get3A_9] : memref<1x4096xi32, #tpu.memory_space<vmem>>, vector<1x4096xi32>
    %ne3A = arith.constant 0 : i32
    %ne3A_11 = vector.broadcast %ne3A : i32 to vector<1x4096xi32>
    %ne3A_12 = arith.cmpi ne, %get3A_10, %ne3A_11 : vector<1x4096xi32>
    %jit3A = arith.constant 0xFF800000 : f32
    %broadcast_in_dim3A = vector.shape_cast %ne3A_12 : vector<1x4096xi1> to vector<1x4096xi1>
    %broadcast_in_dim3A_13 = vector.broadcast %broadcast_in_dim3A : vector<1x4096xi1> to vector<512x4096xi1>
    %broadcast_in_dim3A_14 = vector.broadcast %jit3A : f32 to vector<512x4096xf32>
    %select_n3A = arith.select %broadcast_in_dim3A_13, %broadcast_in_dim3A_14, %dot_general3A_7 : vector<512x4096xi1>, vector<512x4096xf32>
    %reduce_max3A = arith.constant dense<0xFF800000> : vector<512xf32>
    %reduce_max3A_15 = vector.multi_reduction <maximumf>, %select_n3A, %reduce_max3A [1] : vector<512x4096xf32> to vector<512xf32>
    %broadcast_in_dim3A_16 = vector.shape_cast %reduce_max3A_15 : vector<512xf32> to vector<512x1xf32>
    %iota3A = tpu.iota {dimensions = array<i32: 1>} : vector<512x4096xi32>
    %eq3A_17 = vector.broadcast %broadcast_in_dim3A_16 : vector<512x1xf32> to vector<512x4096xf32>
    %eq3A_18 = arith.cmpf oeq, %select_n3A, %eq3A_17 : vector<512x4096xf32>
    %jit3A_19 = arith.constant 4096 : i32
    %broadcast_in_dim3A_20 = vector.broadcast %jit3A_19 : i32 to vector<512x4096xi32>
    %select_n3A_21 = arith.select %eq3A_18, %iota3A, %broadcast_in_dim3A_20 : vector<512x4096xi1>, vector<512x4096xi32>
    %reduce_min3A = arith.constant dense<2147483647> : vector<512xi32>
    %reduce_min3A_22 = vector.multi_reduction <minsi>, %select_n3A_21, %reduce_min3A [1] : vector<512x4096xi32> to vector<512xi32>
    %broadcast_in_dim3A_23 = vector.shape_cast %reduce_min3A_22 : vector<512xi32> to vector<512x1xi32>
    %reshape3A = vector.shape_cast %broadcast_in_dim3A_23 : vector<512x1xi32> to vector<1x512x1xi32>
    %swap3A = arith.constant 0 : index
    %swap3A_24 = arith.constant 0 : index
    %swap3A_25 = arith.constant 0 : index
    %swap3A_26 = vector.load %arg4[%swap3A, %swap3A_24, %swap3A_25] : memref<1x512x1xi32, #tpu.memory_space<vmem>>, vector<1x512x1xi32>
    tpu.vector_store %arg4[%swap3A, %swap3A_24, %swap3A_25], %reshape3A {strides = array<i32>} : memref<1x512x1xi32, #tpu.memory_space<vmem>>, vector<1x512x1xi32>,
    return
  }
  func.func @transform_0(%arg0: i32) -> (i32, i32) {
    %c0_i32 = arith.constant 0 : i32
    %c0_i32_0 = arith.constant 0 : i32
    return %c0_i32, %arg0 : i32, i32
  }
  func.func @transform_1(%arg0: i32) -> (i32, i32) {
    %c0_i32 = arith.constant 0 : i32
    %c0_i32_0 = arith.constant 0 : i32
    %c0_i32_1 = arith.constant 0 : i32
    return %c0_i32, %c0_i32_0 : i32, i32
  }
  func.func @transform_2(%arg0: i32) -> (i32, i32) {
    %c0_i32 = arith.constant 0 : i32
    %c0_i32_0 = arith.constant 0 : i32
    %c0_i32_1 = arith.constant 0 : i32
    return %c0_i32, %c0_i32_0 : i32, i32
  }
  func.func @transform_3(%arg0: i32) -> (i32, i32, i32) {
    %c0_i32 = arith.constant 0 : i32
    %c0_i32_0 = arith.constant 0 : i32
    %c0_i32_1 = arith.constant 0 : i32
    return %arg0, %c0_i32, %c0_i32_0 : i32, i32, i32
  }
}

</mosaic_0001>

<sc_bundles>
// kernel: kernel.4.cloned.1.call-start
scs
__scs_entry_jumppad:
0x0: {  	(pc) =	sbr.rel $0x88, $3  }
0x1: {  	(tag) =	ssettag $0x0;
	lr =	simm.s32 $0x1  }
0x2: {  	[smem:$0x3F9F] =	sst lr;
	_ =	strace $0xD0000000  }
0x3: {  	_ = 	snop  }
0x4: {  	_ = 	snop  }
0x5: {  	_ = 	snop  }
0x6: {  	_ = 	snop  }
0x7: {  	_ = 	snop  }
__scs_overlays_trampoline_lowered:
0x8: {  	[smem:$0x3FAE] =	sst s0  }
0x9: {  	[smem:$0x3FAF] =	sst s1  }
0xa: {  	[smem:$0x3FB0] =	sst s2  }
0xb: {  	[smem:$0x3FB1] =	sst s3  }
0xc: {  	[smem:$0x3FB2] =	sst s4  }
0xd: {  	[smem:$0x3FB3] =	sst s5  }
0xe: {  	[smem:$0x3FB4] =	sst s6  }
0xf: {  	[smem:$0x3FB5] =	sst s7  }
0x10: {  	[smem:$0x3FB6] =	sst s8  }
0x11: {  	[smem:$0x3FB7] =	sst s9;
	s0 =	simm.s32 @!p0 $0x0  }
0x12: {  	s1 =	sld [smem:$0x3F9D];
	s0 =	simm.s32 @p0 $0x1  }
0x13: {  	[smem:$0x3FB8] =	sst s0;
	s0 =	simm.s32 @!p1 $0x0  }
0x14: {  	s2 =	sld [smem:$0x3F9C];
	s0 =	simm.s32 @p1 $0x1  }
0x15: {  	[smem:$0x3FB9] =	sst s0;
	s0 =	simm.s32 @!p2 $0x0  }
0x16: {  	s3 =	sld [smem:$0x3FDB];
	s0 =	simm.s32 @p2 $0x1  }
0x17: {  	s4 =	simm.s32 $0x1BF5;
	[smem:$0x3FBB] =	sst s0  }
0x18: {  	s0 =	sld [smem:$0x3F9E];
	_ =	swait.ge [sflag:s4], $0x0  }
0x19: {  	s7 =	sld [smem:$0x3F9F]  }
0x1a: {  	s8 =	sadd.s32 $0xFFFFE003, lr  }
0x1b: {  	s9 =	sadd.s32 $0xFFFFFEF7, lr;
	s5 =	simm.s32 $0xFFFFFFFF;
	p2 =	slt.u32 s8, $0xFFFFF086  }
0x1c: {  	p1 =	slt.u32 s9, $0xF7A;
	s5 =	simm.s32 @!p2 $0x0  }
0x1d: {  	s5 =	simm.s32 @p1 $0x1;
	p0 =	seq.s32 s7, s2  }
0x1e: {  	s7 =	smul.u32 @!p0 $0xF7A, s2;
	p2 =	seq.s32 @!p0 s5, $0x0  }
0x1f: {  	s9 =	smul.u32 $0xF7A, s1;
	s8 =	simm.s32 @!p0 $0x1BF5;
	p2 =	por !p2, p0  }
0x20: {  	[sflag:s8] =	ssyncset.s32 @!p0 $0xFFFFF086;
	s6 =	sadd.s32 @!p0 s3, s7;
	s7 =	simm.s32 @!p0 $0x108  }
0x21: {  	s3 =	sadd.s32 s3, s9;
	s6 =	sadd.s32 @!p0 $0x88, s6;
	s7 =	simm.s32 @p2 $0x1082  }
0x22: {  	[simem:s7], [sflag:s8] =	dma.local @!p0 [hbm:s6], $0xF7A  }
0x23: {  	s9 =	sor.u32 $0xD0000000, s2;
	s6 =	simm.s32 $0x108;
	_ =	swait.ge @!p0 [sflag:s8], $0x0  }
0x24: {  	s3 =	sadd.s32 $0x88, s3;
	s6 =	simm.s32 @!p1 $0x1082;
	[sflag:s4] =	ssyncset.s32 $0xFFFFF086  }
0x25: {  	[simem:s6], [sflag:s4] =	dma.local [hbm:s3], $0xF7A  }
0x26: {  	[smem:$0x3F9F] =	sst s1;
	(tag) =	ssettag s2;
	_ =	strace s9  }
0x27: {  	s1 =	sld [smem:$0x3FAF]  }
0x28: {  	s2 =	sld [smem:$0x3FB0]  }
0x29: {  	s4 =	sld [smem:$0x3FB2]  }
0x2a: {  	p0 =	seq.s32 s5, $0x0;
	s5 =	sld [smem:$0x3FB3]  }
0x2b: {  	s6 =	sld [smem:$0x3FB4]  }
0x2c: {  	s7 =	sld [smem:$0x3FB5]  }
0x2d: {  	s3 =	simm.s32 $0x108;
	s8 =	sld [smem:$0x3FB6]  }
0x2e: {  	s3 =	simm.s32 @!p0 $0x1082;
	s9 =	sld [smem:$0x3FB7]  }
0x2f: {  	lr =	sadd.s32 s0, s3;
	s0 =	sld [smem:$0x3FAE]  }
0x30: {  	s3 =	sld [smem:$0x3FB1]  }
0x31: {  	[smem:$0x3FBA] =	sst s10  }
0x32: {  	s10 =	sld [smem:$0x3FB8];
	_ =	sdelay $0x3  }
0x33: {  	p0 =	seq.s32 s10, $0x1;
	s10 =	sld [smem:$0x3FBA];
	_ =	sdelay $0x3  }
0x34: {  	[smem:$0x3FBA] =	sst s10  }
0x35: {  	s10 =	sld [smem:$0x3FB9];
	_ =	sdelay $0x3  }
0x36: {  	p1 =	seq.s32 s10, $0x1;
	s10 =	sld [smem:$0x3FBA];
	_ =	sdelay $0x3  }
0x37: {  	[smem:$0x3FBA] =	sst s10  }
0x38: {  	s10 =	sld [smem:$0x3FBB]  }
0x39: {  	_ = 	snop;
	(pc) =	sbr.ind lr, $3  }
0x3a: {  	_ = 	snop  }
0x3b: {  	_ = 	snop  }
0x3c: {  	p2 =	seq.s32 s10, $0x1;
	s10 =	sld [smem:$0x3FBA]  }
0x3d: {  	_ =	shalt  }
0x3e: {  	_ =	shalt  }
0x3f: {  	_ =	shalt  }
0x40: {  	_ =	shalt  }
0x41: {  	_ =	shalt  }
0x42: {  	_ =	shalt  }
0x43: {  	_ =	shalt  }
0x44: {  	_ =	shalt  }
0x45: {  	_ =	shalt  }
0x46: {  	_ =	shalt  }
0x47: {  	_ =	shalt  }
0x48: {  	_ =	shalt  }
0x49: {  	_ =	shalt  }
0x4a: {  	_ =	shalt  }
0x4b: {  	_ =	shalt  }
0x4c: {  	_ =	shalt  }
0x4d: {  	_ =	shalt  }
0x4e: {  	_ =	shalt  }
0x4f: {  	_ =	shalt  }
0x50: {  	_ =	shalt  }
0x51: {  	_ =	shalt  }
0x52: {  	_ =	shalt  }
0x53: {  	_ =	shalt  }
0x54: {  	_ =	shalt  }
0x55: {  	_ =	shalt  }
0x56: {  	_ =	shalt  }
0x57: {  	_ =	shalt  }
0x58: {  	_ =	shalt  }
0x59: {  	_ =	shalt  }
0x5a: {  	_ =	shalt  }
0x5b: {  	_ =	shalt  }
0x5c: {  	_ =	shalt  }
0x5d: {  	_ =	shalt  }
0x5e: {  	_ =	shalt  }
0x5f: {  	_ =	shalt  }
0x60: {  	_ =	shalt  }
0x61: {  	_ =	shalt  }
0x62: {  	_ =	shalt  }
0x63: {  	_ =	shalt  }
0x64: {  	_ =	shalt  }
0x65: {  	_ =	shalt  }
0x66: {  	_ =	shalt  }
0x67: {  	_ =	shalt  }
0x68: {  	_ =	shalt  }
0x69: {  	_ =	shalt  }
0x6a: {  	_ =	shalt  }
0x6b: {  	_ =	shalt  }
0x6c: {  	_ =	shalt  }
0x6d: {  	_ =	shalt  }
0x6e: {  	_ =	shalt  }
0x6f: {  	_ =	shalt  }
0x70: {  	_ =	shalt  }
0x71: {  	_ =	shalt  }
0x72: {  	_ =	shalt  }
0x73: {  	_ =	shalt  }
0x74: {  	_ =	shalt  }
0x75: {  	_ =	shalt  }
0x76: {  	_ =	shalt  }
0x77: {  	_ =	shalt  }
0x78: {  	_ =	shalt  }
0x79: {  	_ =	shalt  }
0x7a: {  	_ =	shalt  }
0x7b: {  	_ =	shalt  }
0x7c: {  	_ =	shalt  }
0x7d: {  	_ =	shalt  }
0x7e: {  	_ =	shalt  }
0x7f: {  	_ =	shalt  }
0x80: {  	_ =	shalt  }
0x81: {  	_ =	shalt  }
0x82: {  	_ =	shalt  }
0x83: {  	_ =	shalt  }
0x84: {  	_ =	shalt  }
0x85: {  	_ =	shalt  }
0x86: {  	_ =	shalt  }
0x87: {  	_ =	shalt  }
.Lfunc_end0:
.L_simem_size_0:
called_computation_lowered:
.L_overlay_start_0:
0x88: {  	s2 =	sld [smem:$0x3FD9]  }
0x89: {  	s3 =	sld [smem:$0x3FFE];
	_ =	sdelay $0x1  }
0x8a: {  	s1 =	srdreg.scid  }
0x8b: {  	s0 =	sand.u32 $0x1, s1  }
0x8c: {  	s16 =	sshll.u32 s0, $0xA;
	s2 =	sadd.s32 s3, s2  }
0x8d: {  	s2 =	sadd.s32 s2, s16  }
0x8e: {  	[smem:$0x3FC6] =	sst s2  }
0x8f: {  	_ = 	snop  }
0x90: {  	(tm) =	ssettm $0x1  }
0x91: {  	s17 =	sld [smem:$0x3FFB];
	_ =	sdelay $0x3  }
0x92: {  	_ =	strace s17  }
0x93: {  	s2 =	sld [smem:$0x3FFC];
	_ =	sdelay $0x3  }
0x94: {  	_ =	strace s2  }
0x95: {  	s2 =	sld [smem:$0x3FFD];
	_ =	sdelay $0x3  }
0x96: {  	_ =	strace s2  }
0x97: {  	_ =	strace $0x8FFFFFFF  }
0x98: {  	s18 =	sld [smem:$0x3FDB];
	_ =	sdelay $0x1  }
0x99: {  	s19 =	simm.s32 $_scs_section_size  }
0x9a: {  	s4 =	simm.s32 $_size__tile_overlayer_lowered;
	s5 =	simm.s32 $_tile_overlayer_lowered  }
0x9b: {  	s22 =	simm.s32 $0x1BFF;
	s21 =	sshll.u32 s5, $0x1;
	s2 =	sadd.s32 s19, s18  }
0x9c: {  	s6 =	simm.s32 $0x0;
	s20 =	sshll.u32 s4, $0x1;
	s4 =	sadd.s32 s21, s2  }
0x9d: {  	[timem:s6], [sflag:s22] =	dma.local [hbm:s4], s20  }
0x9e: {  	_ =	swait.ge [sflag:s22], s20  }
0x9f: {  	s3 =	ssub.s32 $0x0, s20;
	[sflag:s22] =	ssyncset.done $0x0  }
0xa0: {  	[sflag:s22] =	ssyncadd.s32 s3;
	_ =	sdelay $0x1  }
0xa1: {  	s23 =	simm.s32 $0x1B8B  }
0xa2: {  	_ =	swait.ge [sflag:s23], $0x1  }
0xa3: {  	[sflag:s23] =	ssyncset.done $0x0  }
0xa4: {  	s25 =	simm.s32 $0x1B8E;
	s24 =	sld [smem:$0x3FFE];
	[sflag:s23] =	ssyncadd.s32 $0xFFFFFFFF  }
0xa5: {  	s26 =	simm.s32 $execute0_lowered;
	[smem:$0x3FD2] =	sst s25  }
0xa6: {  	s4 =	sshll.u32 s26, $0x1;
	_ =	strace $0x80000046;
	[dreg:$0x1] =	wrdreg $0xFFFFFFFF  }
0xa7: {  	s28 =	simm.s32 $_size_execute0_lowered;
	s2 =	sadd.s32 s2, s4;
	[dreg:$0x0] =	wrdreg $0x0  }
0xa8: {  	s4 =	sshll.u32 s28, $0x1;
	[dreg:$0x2] =	wrdreg s2  }
0xa9: {  	[dreg:$0x3] =	wrdreg s4  }
0xaa: {  	[dreg:$0x4] =	wrdreg $0xC0  }
0xab: {  	_ =	task [dreg:s6], $0x5FFFF  }
0xac: {  	[dreg:$0x1] =	wrdreg $0xFFFFFFFF  }
0xad: {  	[dreg:$0x0] =	wrdreg $0x60  }
0xae: {  	[dreg:$0x2] =	wrdreg s24  }
0xaf: {  	[dreg:$0x3] =	wrdreg $0x9  }
0xb0: {  	_ =	task.clear_ibuf [dreg:s6], $0x4FFFF;
	_ =	strace $0x90000046  }
0xb1: {  	s29 =	simm.s32 $0x9;
	_ =	strace $0x80000048  }
0xb2: {  	_ =	swait.ge [sflag:s29], $0x1  }
0xb3: {  	[sflag:s29] =	ssyncadd.s32 $0xFFFFFFFF  }
0xb4: {  	_ =	strace $0x90000048  }
0xb5: {  	_ =	sfence  }
0xb6: {  	s30 =	sld [smem:$0x0];
	_ =	sdelay $0x2  }
0xb7: {  	s31 =	sshll.u32 s1, $0xD;
	s1 =	sshrl.u32 s1, $0x2  }
0xb8: {  	s3 =	sand.u32 $0x4000, s31;
	s1 =	sadd.s32 s1, s30  }
0xb9: {  	s0 =	sor.u32 s3, s0;
	s1 =	sshll.u32 s1, $0x11  }
0xba: {  	s0 =	sor.u32 s1, s0  }
0xbb: {  	s0 =	sadd.s32 $0x8F2B, s0  }
0xbc: {  	[sflag:s0] =	ssyncadd.remote.s32 $0x1  }
0xbd: {  	_ =	sfence.sel $0xFFFF  }
0xbe: {  	[dreg:$0x0] =	wrdreg $0xFFFFFFFF;
	(pc) =	sbr.abs _section_cstart, $3  }
0xbf: {  	[dreg:$0x1] =	wrdreg $0xFFFFFFFF  }
0xc0: {  	_ =	task.clear_ibuf [dreg:s6], $0x2FFFF;
	_ =	strace $0x9FFFFFFF  }
0xc1: {  	(tm) =	ssettm $0x7FFFFFFF  }
tec
execute0_lowered:
.L_overlay_start_1:
0x0: {  	(tag) =	ssettag $0x1  }
0x1: {  	s0 =	srdreg.scid  }
0x2: {  	s0 =	sand.u32 $0x1, s0  }
0x3: {  	s2 =	ssub.s32 $0x2, s0  }
0x4: {  	s3 =	sshrl.u32 s2, $0x1  }
0x5: {  	s2 =	ssub.s32 s2, s3  }
0x6: {  	s1 =	rddreg [dreg:$0x0];
	s5 =	smax.u32 s2, $0x1  }
0x7: {  	s4 =	simm.s32 $0x0;
	s1 =	sadd.s32 $0xA00, s1;
	p0 =	sne.s32 s5, $0x1  }
.Ltmp0:
0x8: {  	s0 =	rddreg [dreg:$0x1];
	_ =	strace $0x80000047;
	(pc) =	sbr.rel @!p0 .LBB2_2-.Ltmp0, $4  }
0x9: {  	[tilespmem:s4], [sflag:$0x1] =	stream.linear.gather [hbm4b:s1+s4], $0x1000, $0x38;
	[tilespmem:$0x1000] =	vst v63  }
0xa: {  	s3 =	simm.s32 $0x1  }
0xb: {  	_ =	swait.ge [sflag:s3], $0x1000  }
0xc: {  	s2 =	stileid.u32;
	s5 =	sadd.s32 $0xFFFFFFFF, s5;
	[sflag:s3] =	ssyncset.done $0x0  }
.LBB2_1:
0xd: {  	p0 =	sne.s32 s5, $0x1;
	s5 =	sadd.s32 $0xFFFFFFFF, s5;
	[sflag:s3] =	ssyncadd.s32 $0xFFFFF000  }
.Ltmp1:
0xe: {  	(pc) =	sbr.rel @p0 .LBB2_1-.Ltmp1, $4  }
0xf: {  	_ = 	snop  }
0x10: {  	[tilespmem:s4], [sflag:$0x1] =	stream.linear.gather [hbm4b:s1+s4], $0x1000, $0x38;
	[tilespmem:$0x1000] =	vst v63  }
0x11: {  	_ =	swait.ge [sflag:s3], $0x1000  }
0x12: {  	[sflag:s3] =	ssyncset.done $0x0  }
.LBB2_2:
0x13: {  	[sflag:s3] =	ssyncadd.s32 $0xFFFFF000  }
0x14: {  	_ =	sfence.sel $0x180000  }
0x15: {  	[bflag:$0x0] =	sbarrier.arrive $0xFFFF  }
0x16: {  	p0 =	sne.s32 s2, $0x0;
	_ =	strace $0x90000047  }
0x17: {  	s0 =	sadd.s32 @!p0 $0x100000, s0;
	[bflag:$0x2] =	sbarrier.arrive $0xFFFF  }
0x18: {  	[sflag:s0] =	ssyncadd.tile.s32 @!p0 $0x1;
	_ =	shalt  }
.Lfunc_end2:
_tile_overlayer_lowered:
.L_overlay_start_2:
0x19: {  	(tag) =	ssettag $0x2  }
0x1a: {  	s0 =	rddreg [dreg:$0x0];
	s2 =	stileid.u32  }
0x1b: {  	s1 =	rddreg [dreg:$0x1];
	p0 =	sne.s32 s2, $0x0  }
0x1c: {  	s3 =	rddreg [dreg:$0x2];
	[bflag:$0x3] =	sbarrier.arrive $0xFFFF;
	s2 =	simm.s32 @!p0 $0x1C01  }
0x1d: {  	[timem:s3], [sflag:s2] =	dma.local @!p0 [hbm:s0], s1  }
0x1e: {  	s0 =	simm.s32 @!p0 $0x1  }
0x1f: {  	_ =	swait.ge @!p0 [sflag:s0], s1  }
0x20: {  	s1 =	ssub.s32 @!p0 $0x0, s1;
	[sflag:s0] =	ssyncset.done @!p0 $0x0  }
0x21: {  	[sflag:s0] =	ssyncadd.s32 @!p0 s1  }
0x22: {  	[bflag:$0x3] =	sbarrier.arrive $0xFFFF  }
0x23: {  	_ =	shalt  }

</sc_bundles>
